<compile_context>
chip_gen: v7x
topology: tpu7x:2x2x1
jax: 0.10.2.dev20260603
libtpu: 0.0.44.dev20260713+nightly
codegen_flags: <defaults>
</compile_context>

<pallas_src>
import functools

import jax
import jax.numpy as jnp
from jax.experimental import pallas as pl

NUM_CLASSES = 1000
NUM_NEIGHBOURS = 200
SIGMA = 10.0
GC = 1.0 / (2.0 * SIGMA ** 2)

_BR = 256
_BC = 2048


def _d2_kernel(q_ref, c_ref, o_ref):
    q = q_ref[...]
    c = c_ref[...]
    q2 = jnp.sum(q * q, axis=1, keepdims=True)
    c2 = jnp.sum(c * c, axis=1)[None, :]
    dot = jax.lax.dot_general(
        q, c, (((1,), (1,)), ((), ())),
        preferred_element_type=jnp.float32,
        precision=jax.lax.Precision.DEFAULT)
    o_ref[...] = q2 + c2 - 2.0 * dot


def _pairwise_d2(features, centres_pad, n_pad):
    b, d = features.shape
    grid = (b // _BR, n_pad // _BC)
    return pl.pallas_call(
        _d2_kernel,
        grid=grid,
        in_specs=[
            pl.BlockSpec((_BR, d), lambda i, j: (i, 0)),
            pl.BlockSpec((_BC, d), lambda i, j: (j, 0)),
        ],
        out_specs=pl.BlockSpec((_BR, _BC), lambda i, j: (i, j)),
        out_shape=jax.ShapeDtypeStruct((b, n_pad), jnp.float32),
    )(features, centres_pad)


def kernel(features, centres, centre_labels, weight):
    b, d = features.shape
    n = centres.shape[0]
    n_pad = ((n + _BC - 1) // _BC) * _BC
    centres_pad = jnp.pad(centres, ((0, n_pad - n), (0, 0)),
                          constant_values=1e3)
    d2 = _pairwise_d2(features, centres_pad, n_pad)

    neg_vals, idx = jax.lax.top_k(-d2, NUM_NEIGHBOURS)
    d2k = -neg_vals
    kw = jnp.exp(weight)
    contrib = jnp.exp(-d2k * GC) * kw[idx]
    labels = centre_labels[idx]
    p = jnp.zeros((b, NUM_CLASSES), dtype=jnp.float32)
    p = p.at[jnp.arange(b)[:, None], labels].add(contrib)
    p = jnp.where(p == 0.0, 1e-10, p)
    p = p / jnp.sum(p, axis=1, keepdims=True)
    return (jnp.log(p), p)

# --- scband reference (transcript-rebuilt; emitter-appended) ---
"""Pipeline reference for scband-gaussian-kernels-22763326669354 (READ-ONLY COPY).

The authoritative reference and input builder live on the scoring server;
editing this copy changes nothing except your own understanding.
"""

import jax, jax.numpy as jnp
import numpy as np

NUM_CLASSES = 1000
NUM_NEIGHBOURS = 200
NUM_CENTRES = 100000
SIGMA = 10.0
GC = 1.0 / (2.0 * SIGMA ** 2)
B = 1024
D = 128


def setup_inputs(seed: int = 0) -> dict:
    key = jax.random.key(seed)
    k1, k2, k3 = jax.random.split(key, 3)
    features = jax.random.normal(k1, (B, D), dtype=jnp.float32)
    centres = jax.random.normal(k2, (NUM_CENTRES, D), dtype=jnp.float32)
    centre_labels = jax.random.randint(k3, (NUM_CENTRES,), 0, NUM_CLASSES).astype(jnp.int64)
    # learned parameter: per-centre log kernel weight, initialized to zeros like torch
    weight = jnp.zeros((NUM_CENTRES,), dtype=jnp.float32)
    return {"features": features, "centres": centres, "centre_labels": centre_labels, "weight": weight}


def _find_neighbours(queries, centres, num_neighbours):
    # squared euclidean distance has the same argsort order as cdist
    q2 = jnp.sum(queries * queries, axis=1, keepdims=True)
    c2 = jnp.sum(centres * centres, axis=1)
    d2 = q2 + c2[None, :] - 2.0 * (queries @ centres.T)
    return jnp.argsort(d2, axis=1)[:, :num_neighbours]


def reference(features, centres, centre_labels, weight):
    kernel_weights = jnp.exp(weight)
    neighbours = _find_neighbours(features, centres, NUM_NEIGHBOURS)  # [B, nn]
    diff = features[:, None, :] - centres[neighbours]                 # [B, nn, D]
    d = jnp.exp(-jnp.sum(diff * diff, axis=-1) * GC) * kernel_weights[neighbours]  # [B, nn]
    labels = centre_labels[neighbours]                                # [B, nn]
    bsz = features.shape[0]
    p = jnp.zeros((bsz, NUM_CLASSES), dtype=jnp.float32)
    p = p.at[jnp.arange(bsz)[:, None], labels].add(d)
    p = jnp.where(p == 0.0, 1e-10, p)
    p = p / jnp.sum(p, axis=1, keepdims=True)
    return (jnp.log(p), p)

if __name__ == "__main__":
    import jax
    _d = setup_inputs()
    print(jax.jit(kernel)(*tuple(_d.values())))

</pallas_src>

<mosaic_0001>
module attributes {stable_mosaic.version = 14 : i64} {
  func.func @_d2_kernel(%arg0: i32, %arg1: i32, %arg2: memref<256x128xf32, #tpu.memory_space<vmem>>, %arg3: memref<2048x128xf32, #tpu.memory_space<vmem>>, %arg4: memref<256x2048xf32, #tpu.memory_space<vmem>>) attributes {dimension_semantics = [#tpu.dimension_semantics<arbitrary>, #tpu.dimension_semantics<arbitrary>], iteration_bounds = array<i64: 4, 49>, scalar_prefetch = 0 : i64, scratch_operands = 0 : i64, tpu.core_type = #tpu.core_type<tc>, window_params = [{transform_indices = @transform_0, window_bounds = array<i64: 256, 128>}, {transform_indices = @transform_1, window_bounds = array<i64: 2048, 128>}, {transform_indices = @transform_2, window_bounds = array<i64: 256, 2048>}]} {
    %get3A = arith.constant 0 : index
    %get3A_0 = arith.constant 0 : index
    %get3A_1 = vector.load %arg2[%get3A, %get3A_0] : memref<256x128xf32, #tpu.memory_space<vmem>>, vector<256x128xf32>
    %get3A_2 = arith.constant 0 : index
    %get3A_3 = arith.constant 0 : index
    %get3A_4 = vector.load %arg3[%get3A_2, %get3A_3] : memref<2048x128xf32, #tpu.memory_space<vmem>>, vector<2048x128xf32>
    %mul3A = arith.mulf %get3A_1, %get3A_1 : vector<256x128xf32>
    %reduce_sum3A = arith.constant dense<0.000000e+00> : vector<256xf32>
    %reduce_sum3A_5 = vector.multi_reduction <add>, %mul3A, %reduce_sum3A [1] : vector<256x128xf32> to vector<256xf32>
    %broadcast_in_dim3A = vector.shape_cast %reduce_sum3A_5 : vector<256xf32> to vector<256x1xf32>
    %mul3A_6 = arith.mulf %get3A_4, %get3A_4 : vector<2048x128xf32>
    %reduce_sum3A_7 = arith.constant dense<0.000000e+00> : vector<2048xf32>
    %reduce_sum3A_8 = vector.multi_reduction <add>, %mul3A_6, %reduce_sum3A_7 [1] : vector<2048x128xf32> to vector<2048xf32>
    %broadcast_in_dim3A_9 = vector.shape_cast %reduce_sum3A_8 : vector<2048xf32> to vector<1x2048xf32>
    %dot_general3A = arith.constant dense<0.000000e+00> : vector<256x2048xf32>
    %dot_general3A_10 = tpu.matmul %get3A_1, %get3A_4, %dot_general3A {dimension_numbers = #tpu.dot_dimension_numbers<[1], [1], [0], [0], [0, 0, 1, 0], [], []>, transpose_lhs_hint = false} : vector<256x128xf32>, vector<2048x128xf32>, vector<256x2048xf32> -> vector<256x2048xf32>
    %add3A = vector.broadcast %broadcast_in_dim3A : vector<256x1xf32> to vector<256x2048xf32>
    %add3A_11 = vector.broadcast %broadcast_in_dim3A_9 : vector<1x2048xf32> to vector<256x2048xf32>
    %add3A_12 = arith.addf %add3A, %add3A_11 : vector<256x2048xf32>
    %mul3A_13 = arith.constant 2.000000e+00 : f32
    %mul3A_14 = vector.broadcast %mul3A_13 : f32 to vector<256x2048xf32>
    %mul3A_15 = arith.mulf %mul3A_14, %dot_general3A_10 : vector<256x2048xf32>
    %sub3A = arith.subf %add3A_12, %mul3A_15 : vector<256x2048xf32>
    %swap3A = arith.constant 0 : index
    %swap3A_16 = arith.constant 0 : index
    %swap3A_17 = vector.load %arg4[%swap3A, %swap3A_16] : memref<256x2048xf32, #tpu.memory_space<vmem>>, vector<256x2048xf32>
    tpu.vector_store %arg4[%swap3A, %swap3A_16], %sub3A {strides = array<i32>} : memref<256x2048xf32, #tpu.memory_space<vmem>>, vector<256x2048xf32>,
    return
  }
  func.func @transform_0(%arg0: i32, %arg1: i32) -> (i32, i32) {
    %c0_i32 = arith.constant 0 : i32
    %c0_i32_0 = arith.constant 0 : i32
    return %arg0, %c0_i32 : i32, i32
  }
  func.func @transform_1(%arg0: i32, %arg1: i32) -> (i32, i32) {
    %c0_i32 = arith.constant 0 : i32
    %c0_i32_0 = arith.constant 0 : i32
    return %arg1, %c0_i32 : i32, i32
  }
  func.func @transform_2(%arg0: i32, %arg1: i32) -> (i32, i32) {
    %c0_i32 = arith.constant 0 : i32
    return %arg0, %arg1 : i32, i32
  }
}

</mosaic_0001>

<sc_bundles>
// kernel: scatter_offload_async_start
scs
__scs_entry_jumppad:
0x0: {  	(pc) =	sbr.rel $0x88, $3  }
0x1: {  	(tag) =	ssettag $0x0;
	lr =	simm.s32 $0x1  }
0x2: {  	[smem:$0x3F9D] =	sst lr;
	_ =	strace $0xD0000000  }
0x3: {  	_ = 	snop  }
0x4: {  	_ = 	snop  }
0x5: {  	_ = 	snop  }
0x6: {  	_ = 	snop  }
0x7: {  	_ = 	snop  }
__scs_overlays_trampoline_lowered:
0x8: {  	[smem:$0x3FAC] =	sst s0  }
0x9: {  	[smem:$0x3FAD] =	sst s1  }
0xa: {  	[smem:$0x3FAE] =	sst s2  }
0xb: {  	[smem:$0x3FAF] =	sst s3  }
0xc: {  	[smem:$0x3FB0] =	sst s4  }
0xd: {  	[smem:$0x3FB1] =	sst s5  }
0xe: {  	[smem:$0x3FB2] =	sst s6  }
0xf: {  	[smem:$0x3FB3] =	sst s7  }
0x10: {  	[smem:$0x3FB4] =	sst s8  }
0x11: {  	[smem:$0x3FB5] =	sst s9;
	s0 =	simm.s32 @!p0 $0x0  }
0x12: {  	s1 =	sld [smem:$0x3F9B];
	s0 =	simm.s32 @p0 $0x1  }
0x13: {  	[smem:$0x3FB6] =	sst s0;
	s0 =	simm.s32 @!p1 $0x0  }
0x14: {  	s2 =	sld [smem:$0x3F9A];
	s0 =	simm.s32 @p1 $0x1  }
0x15: {  	[smem:$0x3FB7] =	sst s0;
	s0 =	simm.s32 @!p2 $0x0  }
0x16: {  	s3 =	sld [smem:$0x3FDB];
	s0 =	simm.s32 @p2 $0x1  }
0x17: {  	s4 =	simm.s32 $0x1BF5;
	[smem:$0x3FB9] =	sst s0  }
0x18: {  	s0 =	sld [smem:$0x3F9C];
	_ =	swait.ge [sflag:s4], $0x0  }
0x19: {  	s7 =	sld [smem:$0x3F9D]  }
0x1a: {  	s8 =	sadd.s32 $0xFFFFE003, lr  }
0x1b: {  	s9 =	sadd.s32 $0xFFFFFEF7, lr;
	s5 =	simm.s32 $0xFFFFFFFF;
	p2 =	slt.u32 s8, $0xFFFFF086  }
0x1c: {  	p1 =	slt.u32 s9, $0xF7A;
	s5 =	simm.s32 @!p2 $0x0  }
0x1d: {  	s5 =	simm.s32 @p1 $0x1;
	p0 =	seq.s32 s7, s2  }
0x1e: {  	s7 =	smul.u32 @!p0 $0xF7A, s2;
	p2 =	seq.s32 @!p0 s5, $0x0  }
0x1f: {  	s9 =	smul.u32 $0xF7A, s1;
	s8 =	simm.s32 @!p0 $0x1BF5;
	p2 =	por !p2, p0  }
0x20: {  	[sflag:s8] =	ssyncset.s32 @!p0 $0xFFFFF086;
	s6 =	sadd.s32 @!p0 s3, s7;
	s7 =	simm.s32 @!p0 $0x108  }
0x21: {  	s3 =	sadd.s32 s3, s9;
	s6 =	sadd.s32 @!p0 $0x88, s6;
	s7 =	simm.s32 @p2 $0x1082  }
0x22: {  	[simem:s7], [sflag:s8] =	dma.local @!p0 [hbm:s6], $0xF7A  }
0x23: {  	s9 =	sor.u32 $0xD0000000, s2;
	s6 =	simm.s32 $0x108;
	_ =	swait.ge @!p0 [sflag:s8], $0x0  }
0x24: {  	s3 =	sadd.s32 $0x88, s3;
	s6 =	simm.s32 @!p1 $0x1082;
	[sflag:s4] =	ssyncset.s32 $0xFFFFF086  }
0x25: {  	[simem:s6], [sflag:s4] =	dma.local [hbm:s3], $0xF7A  }
0x26: {  	[smem:$0x3F9D] =	sst s1;
	(tag) =	ssettag s2;
	_ =	strace s9  }
0x27: {  	s1 =	sld [smem:$0x3FAD]  }
0x28: {  	s2 =	sld [smem:$0x3FAE]  }
0x29: {  	s4 =	sld [smem:$0x3FB0]  }
0x2a: {  	p0 =	seq.s32 s5, $0x0;
	s5 =	sld [smem:$0x3FB1]  }
0x2b: {  	s6 =	sld [smem:$0x3FB2]  }
0x2c: {  	s7 =	sld [smem:$0x3FB3]  }
0x2d: {  	s3 =	simm.s32 $0x108;
	s8 =	sld [smem:$0x3FB4]  }
0x2e: {  	s3 =	simm.s32 @!p0 $0x1082;
	s9 =	sld [smem:$0x3FB5]  }
0x2f: {  	lr =	sadd.s32 s0, s3;
	s0 =	sld [smem:$0x3FAC]  }
0x30: {  	s3 =	sld [smem:$0x3FAF]  }
0x31: {  	[smem:$0x3FB8] =	sst s10  }
0x32: {  	s10 =	sld [smem:$0x3FB6];
	_ =	sdelay $0x3  }
0x33: {  	p0 =	seq.s32 s10, $0x1;
	s10 =	sld [smem:$0x3FB8];
	_ =	sdelay $0x3  }
0x34: {  	[smem:$0x3FB8] =	sst s10  }
0x35: {  	s10 =	sld [smem:$0x3FB7];
	_ =	sdelay $0x3  }
0x36: {  	p1 =	seq.s32 s10, $0x1;
	s10 =	sld [smem:$0x3FB8];
	_ =	sdelay $0x3  }
0x37: {  	[smem:$0x3FB8] =	sst s10  }
0x38: {  	s10 =	sld [smem:$0x3FB9]  }
0x39: {  	_ = 	snop;
	(pc) =	sbr.ind lr, $3  }
0x3a: {  	_ = 	snop  }
0x3b: {  	_ = 	snop  }
0x3c: {  	p2 =	seq.s32 s10, $0x1;
	s10 =	sld [smem:$0x3FB8]  }
0x3d: {  	_ =	shalt  }
0x3e: {  	_ =	shalt  }
0x3f: {  	_ =	shalt  }
0x40: {  	_ =	shalt  }
0x41: {  	_ =	shalt  }
0x42: {  	_ =	shalt  }
0x43: {  	_ =	shalt  }
0x44: {  	_ =	shalt  }
0x45: {  	_ =	shalt  }
0x46: {  	_ =	shalt  }
0x47: {  	_ =	shalt  }
0x48: {  	_ =	shalt  }
0x49: {  	_ =	shalt  }
0x4a: {  	_ =	shalt  }
0x4b: {  	_ =	shalt  }
0x4c: {  	_ =	shalt  }
0x4d: {  	_ =	shalt  }
0x4e: {  	_ =	shalt  }
0x4f: {  	_ =	shalt  }
0x50: {  	_ =	shalt  }
0x51: {  	_ =	shalt  }
0x52: {  	_ =	shalt  }
0x53: {  	_ =	shalt  }
0x54: {  	_ =	shalt  }
0x55: {  	_ =	shalt  }
0x56: {  	_ =	shalt  }
0x57: {  	_ =	shalt  }
0x58: {  	_ =	shalt  }
0x59: {  	_ =	shalt  }
0x5a: {  	_ =	shalt  }
0x5b: {  	_ =	shalt  }
0x5c: {  	_ =	shalt  }
0x5d: {  	_ =	shalt  }
0x5e: {  	_ =	shalt  }
0x5f: {  	_ =	shalt  }
0x60: {  	_ =	shalt  }
0x61: {  	_ =	shalt  }
0x62: {  	_ =	shalt  }
0x63: {  	_ =	shalt  }
0x64: {  	_ =	shalt  }
0x65: {  	_ =	shalt  }
0x66: {  	_ =	shalt  }
0x67: {  	_ =	shalt  }
0x68: {  	_ =	shalt  }
0x69: {  	_ =	shalt  }
0x6a: {  	_ =	shalt  }
0x6b: {  	_ =	shalt  }
0x6c: {  	_ =	shalt  }
0x6d: {  	_ =	shalt  }
0x6e: {  	_ =	shalt  }
0x6f: {  	_ =	shalt  }
0x70: {  	_ =	shalt  }
0x71: {  	_ =	shalt  }
0x72: {  	_ =	shalt  }
0x73: {  	_ =	shalt  }
0x74: {  	_ =	shalt  }
0x75: {  	_ =	shalt  }
0x76: {  	_ =	shalt  }
0x77: {  	_ =	shalt  }
0x78: {  	_ =	shalt  }
0x79: {  	_ =	shalt  }
0x7a: {  	_ =	shalt  }
0x7b: {  	_ =	shalt  }
0x7c: {  	_ =	shalt  }
0x7d: {  	_ =	shalt  }
0x7e: {  	_ =	shalt  }
0x7f: {  	_ =	shalt  }
0x80: {  	_ =	shalt  }
0x81: {  	_ =	shalt  }
0x82: {  	_ =	shalt  }
0x83: {  	_ =	shalt  }
0x84: {  	_ =	shalt  }
0x85: {  	_ =	shalt  }
0x86: {  	_ =	shalt  }
0x87: {  	_ =	shalt  }
.Lfunc_end0:
.L_simem_size_0:
called_computation_lowered:
.L_overlay_start_0:
0x88: {  	s0 =	sld [smem:$0x3FD9]  }
0x89: {  	s1 =	sld [smem:$0x3FFE];
	_ =	sdelay $0x3  }
0x8a: {  	s0 =	sadd.s32 s1, s0  }
0x8b: {  	[smem:$0x3FC4] =	sst s0  }
0x8c: {  	_ = 	snop  }
0x8d: {  	s0 =	sld [smem:$0x3FD0];
	_ =	sdelay $0x2  }
0x8e: {  	s13 =	simm.s32 $0xA;
	s2 =	simm.s32 $0x10  }
0x8f: {  	[smem:s2], [sflag:s13] =	dma.local [hbm:s0], $0x1  }
0x90: {  	_ =	swait.eq [sflag:s13], $0x1  }
0x91: {  	[sflag:s13] =	ssyncset.done $0x0  }
0x92: {  	s14 =	sld [smem:$0x10];
	[sflag:s13] =	ssyncadd.s32 $0xFFFFFFFF  }
0x93: {  	s15 =	sld [smem:$0x11];
	(tm) =	ssettm $0x1  }
0x94: {  	s16 =	sld [smem:$0x3FFB];
	_ =	sdelay $0x3  }
0x95: {  	_ =	strace s16  }
0x96: {  	s2 =	sld [smem:$0x3FFC];
	_ =	sdelay $0x3  }
0x97: {  	_ =	strace s2  }
0x98: {  	s2 =	sld [smem:$0x3FFD];
	_ =	sdelay $0x3  }
0x99: {  	_ =	strace s2  }
0x9a: {  	_ =	strace $0x8FFFFFFF  }
0x9b: {  	s17 =	sld [smem:$0x3FDB];
	_ =	sdelay $0x1  }
0x9c: {  	s3 =	simm.s32 $_scs_section_size  }
0x9d: {  	s4 =	simm.s32 $_size__tile_overlayer_lowered;
	s5 =	simm.s32 $_tile_overlayer_lowered  }
0x9e: {  	s20 =	simm.s32 $0x1BFF;
	s19 =	sshll.u32 s5, $0x1;
	s2 =	sadd.s32 s3, s17  }
0x9f: {  	s6 =	simm.s32 $0x0;
	s18 =	sshll.u32 s4, $0x1;
	s4 =	sadd.s32 s19, s2  }
0xa0: {  	[timem:s6], [sflag:s20] =	dma.local [hbm:s4], s18  }
0xa1: {  	_ =	swait.ge [sflag:s20], s18  }
0xa2: {  	s3 =	ssub.s32 $0x0, s18;
	[sflag:s20] =	ssyncset.done $0x0  }
0xa3: {  	[sflag:s20] =	ssyncadd.s32 s3;
	_ =	sdelay $0x1  }
0xa4: {  	s21 =	simm.s32 $0x1B8B  }
0xa5: {  	_ =	swait.ge [sflag:s21], $0x1  }
0xa6: {  	[sflag:s21] =	ssyncset.done $0x0  }
0xa7: {  	s23 =	simm.s32 $0x1B8E;
	s22 =	sld [smem:$0x3FFE];
	[sflag:s21] =	ssyncadd.s32 $0xFFFFFFFF  }
0xa8: {  	s24 =	simm.s32 $execute0_lowered;
	[smem:$0x3FD2] =	sst s23  }
0xa9: {  	s4 =	sshll.u32 s24, $0x1;
	_ =	strace $0x80000046;
	[dreg:$0x1] =	wrdreg $0xFFFFFFFF  }
0xaa: {  	s25 =	simm.s32 $_size_execute0_lowered;
	s2 =	sadd.s32 s2, s4;
	[dreg:$0x0] =	wrdreg $0x0  }
0xab: {  	s4 =	sshll.u32 s25, $0x1;
	[dreg:$0x2] =	wrdreg s2  }
0xac: {  	[dreg:$0x3] =	wrdreg s4  }
0xad: {  	[dreg:$0x4] =	wrdreg $0xC0  }
0xae: {  	_ =	task [dreg:s6], $0x5FFFF  }
0xaf: {  	[dreg:$0x1] =	wrdreg $0xFFFFFFFF  }
0xb0: {  	[dreg:$0x0] =	wrdreg $0x60  }
0xb1: {  	[dreg:$0x2] =	wrdreg s15  }
0xb2: {  	[dreg:$0x3] =	wrdreg s14  }
0xb3: {  	[dreg:$0x4] =	wrdreg s22  }
0xb4: {  	[dreg:$0x5] =	wrdreg $0x9  }
0xb5: {  	_ =	task.clear_ibuf [dreg:s6], $0x6FFFF;
	_ =	strace $0x90000046  }
0xb6: {  	s26 =	simm.s32 $0x9;
	_ =	strace $0x80000048  }
0xb7: {  	_ =	swait.ge [sflag:s26], $0x1  }
0xb8: {  	[sflag:s26] =	ssyncadd.s32 $0xFFFFFFFF  }
0xb9: {  	_ =	strace $0x90000048  }
0xba: {  	_ =	sfence  }
0xbb: {  	s28 =	sld [smem:$0x0];
	_ =	sdelay $0x1  }
0xbc: {  	s29 =	srdreg.scid  }
0xbd: {  	s30 =	sshll.u32 s29, $0xD;
	s31 =	sshrl.u32 s29, $0x2  }
0xbe: {  	s1 =	sand.u32 $0x1, s29;
	s2 =	sand.u32 $0x4000, s30;
	s0 =	sadd.s32 s31, s28  }
0xbf: {  	s1 =	sor.u32 s2, s1;
	s0 =	sshll.u32 s0, $0x11  }
0xc0: {  	s0 =	sor.u32 s0, s1  }
0xc1: {  	s0 =	sadd.s32 $0x8F2B, s0  }
0xc2: {  	[sflag:s0] =	ssyncadd.remote.s32 $0x1  }
0xc3: {  	_ =	sfence.sel $0xFFFF  }
0xc4: {  	[dreg:$0x0] =	wrdreg $0xFFFFFFFF;
	(pc) =	sbr.abs _section_cstart, $3  }
0xc5: {  	[dreg:$0x1] =	wrdreg $0xFFFFFFFF  }
0xc6: {  	_ =	task.clear_ibuf [dreg:s6], $0x2FFFF;
	_ =	strace $0x9FFFFFFF  }
0xc7: {  	(tm) =	ssettm $0x7FFFFFFF  }
tec
execute0_lowered:
.L_overlay_start_1:
0x0: {  	(tag) =	ssettag $0x1  }
0x1: {  	s1 =	rddreg [dreg:$0x0]  }
0x2: {  	s3 =	rddreg [dreg:$0x1];
	_ =	strace $0x80000047;
	s0 =	simm.s32 $0x1  }
0x3: {  	v1 =	vimm.s32 $0xFFFFFFFF;
	[sflag:s0] =	ssyncpa.u1 $0x0  }
0x4: {  	[tilespmem:$0x10] =	vst v1  }
0x5: {  	v0 =	vimm.f32 $0.0e+00;
	[tilespmem:$0x20] =	vst v1  }
0x6: {  	s4 =	stileid.u32;
	s2 =	simm.s32 $0x4000;
	s30 =	simm.s32 $0x2;
	[tilespmem:$0x30] =	vst v0  }
0x7: {  	s7 =	simm.s32 $0x7;
	s8 =	simm.s32 $0x8;
	s31 =	simm.s32 $0x9;
	[tilespmem:$0x40] =	vst v0  }
0x8: {  	s16 =	simm.s32 $0x0;
	s17 =	simm.s32 $0xFFFFE000;
	s18 =	simm.s32 $0xF0;
	[tilespmem:$0x50] =	vst v0  }
0x9: {  	s19 =	simm.s32 $0xFFFFFFFF;
	s20 =	simm.s32 $0xFFFFC100;
	s29 =	smin.u32 s4, $0x9;
	[tilespmem:$0x60] =	vst v1  }
0xa: {  	s21 =	simm.s32 $0xFFFFFFFE;
	p0 =	slt.u32 s4, $0x9;
	[tilespmem:$0x70] =	vst v1;
	s0 =	sadd.s32 s4, s29  }
0xb: {  	s22 =	simm.s32 $0xF;
	[tilespmem:$0x80] =	vst v1;
	s2 =	simm.s32 @!p0 $0x2000;
	s5 =	sshll.u32 s0, $0xD  }
0xc: {  	s26 =	simm.s32 $0x0;
	s25 =	simm.s32 $0x0;
	v1 =	vimm.s32 $0x0;
	[tilespmem:$0xB0] =	vst v0;
	s0 =	sadd.s32 s2, s5  }
0xd: {  	s11 =	sshll.u32 s4, $0x1;
	s14 =	sshllo.u32 s4, $0x1;
	[tilespmem:$0x90] =	vst v1;
	s6 =	smin.u32 s0, $0x32000  }
.Ltmp0:
0xe: {  	[tilespmem:$0xA0] =	vst v1;
	[sflag:s30] =	ssyncpa.u1 $0x0;
	s2 =	ssub.s32 s6, s5;
	(pc) =	sbr.rel .LBB2_1-.Ltmp0, $4  }
0xf: {  	s13 =	sor.u32 $0x81, s11;
	[sflag:s7] =	ssyncpa.u1 $0x0;
	p0 =	sgt.s32 s2, $0x0  }
0x10: {  	s15 =	sor.u32 $0x80, s11;
	[sflag:s8] =	ssyncpa.u1 $0x0;
	s2 =	simm.s32 @!p0 $0x0  }
0x11: {  	vm0 =	vmmov $0xffff;
	v2 =	vlaneseq.u32;
	s24 =	smov.u32 s5;
	[sflag:s31] =	ssyncpa.u1 $0x0;
	s9 =	sshrl.u32 s2, $0xD  }
0x12: {  	vm1 =	vmxor vm1, vm1;
	vm2 =	vmmov $0x1;
	vm3 =	vcmask $0x3F3C;
	p0 =	por $0x0, $0x0;
	s10 =	sadd.s32 $0x1, s9;
	s12 =	sadd.s32 $0x2, s9  }
.LBB2_9:
0x13: {  	p1 =	slt.u32 s25, $0x3  }
0x14: {  	s0 =	simm.s32 @!p1 $0x2  }
0x15: {  	_ =	swait.ge @!p1 [sflag:s0], $0x2000  }
0x16: {  	[sflag:s0] =	ssyncset.done @!p1 $0x0  }
0x17: {  	[sflag:s0] =	ssyncadd.s32 @!p1 $0xFFFFE000;
	s0 =	simm.s32 @!p1 $0x9  }
0x18: {  	_ =	swait.ge @!p1 [sflag:s0], $0x10  }
0x19: {  	s2 =	sadd.s32 $0x2000, s24;
	[sflag:s0] =	ssyncset.done @!p1 $0x0  }
0x1a: {  	[sflag:s0] =	ssyncadd.s32 @!p1 $0xFFFFFFF0;
	p1 =	slt.s32 s2, s6;
	s0 =	smov.u32 s5  }
0x1b: {  	s0 =	smov.u32 @p1 s2;
	p1 =	sne.s32 s25, s12  }
.Ltmp1:
0x1c: {  	_ = 	snop;
	(pc) =	sbr.rel @!p1 .LBB2_10-.Ltmp1, $4  }
0x1d: {  	s31 =	sadd.s32 $0x1, s25  }
0x1e: {  	s17 =	sadd.s32 $0x2000, s17;
	s18 =	sadd.s32 $0x2000, s18;
	s19 =	sadd.s32 $0x1, s19  }
0x1f: {  	s26 =	smov.u32 s24;
	p0 =	por !p0, !p0;
	s20 =	sadd.s32 $0x2000, s20  }
0x20: {  	s21 =	sadd.s32 $0x1, s21;
	s25 =	smov.u32 s31;
	s24 =	smov.u32 s0  }
.LBB2_1:
0x21: {  	p1 =	sge.u32 s25, s9  }
0x22: {  	s0 =	smulhi.u32 @!p1 $0xAAAAAAAB, s25;
	_ =	sdelay $0x1  }
0x23: {  	s0 =	sshrl.u32 @!p1 s0, $0x1  }
0x24: {  	s0 =	smul.u32 @!p1 $0x3, s0;
	_ =	sdelay $0x1  }
0x25: {  	s0 =	ssub.s32 @!p1 s25, s0  }
0x26: {  	s2 =	sshrl.u32 @!p1 s24, $0x3;
	s0 =	sshll.u32 @!p1 s0, $0xD  }
0x27: {  	s4 =	sand.u32 @!p1 $0x7, s24;
	s2 =	sadd.s32 @!p1 s3, s2;
	s0 =	sor.u32 @!p1 $0x100, s0  }
0x28: {  	[tilespmem:s0], [sflag:$0x7] =	stream.linear.gather @!p1 [hbm4b:s2+s4], $0x2000, $0x38;
	[tilespmem:$0x12120] =	vst v63  }
0x29: {  	s2 =	sadd.s32 $0xFFFFFFFF, s25  }
0x2a: {  	p1 =	sge.u32 s2, s9  }
.Ltmp2:
0x2b: {  	_ = 	snop;
	(pc) =	sbr.rel @p1 .LBB2_5-.Ltmp2, $1  }
0x2c: {  	_ =	sdelay $0x3  }
0x2d: {  	s0 =	smulhi.u32 $0xAAAAAAAB, s2;
	_ =	sdelay $0x1  }
0x2e: {  	s0 =	sshrl.u32 s0, $0x1  }
0x2f: {  	s0 =	smul.u32 $0x3, s0;
	_ =	sdelay $0x1  }
0x30: {  	s0 =	ssub.s32 s2, s0  }
0x31: {  	_ =	swait.ge [sflag:s7], $0x2000;
	s0 =	sshll.u32 s0, $0xD  }
0x32: {  	[sflag:s7] =	ssyncset.done $0x0;
	s0 =	sor.u32 $0x100, s0  }
0x33: {  	[sflag:s7] =	ssyncadd.s32 $0xFFFFE000;
	(ifvalue) =	ssetifvalue $0xFFFFFFFF;
	v3 =	vld.msk [tilespmem:s0+$0x0 ss:$0x1], $0xffff;
	_ =	sdelay $0x2  }
0x34: {  	s29 =	smulhi.u32 $0xAAAAAAAB, s19;
	p1 =	sne.s32 s25, $0x1  }
0x35: {  	v4 =	vimm.s32 @!p1 $0x0  }
0x36: {  	s0 =	sshrl.u32 s29, $0x1;
	v4 =	vperm.xlane @!p1 v3, v4  }
0x37: {  	s4 =	sshll.u32 s25, $0x4;
	s0 =	smul.u32 $0xFFFE8000, s0;
	vm4 =	vlt.u32 v3, $0xFA000  }
0x38: {  	s4 =	sand.u32 $0x10, s4;
	v3 =	vnsel vm4, $0xFFFFFFFE, v3;
	vm4 =	vlt.u32 @!p1 v4, $0xFA000  }
0x39: {  	s0 =	sshra.s32 s0, $0x2;
	[tilespmem:s4+$0x60] =	vst v3;
	v3 =	vnsel @!p1 vm4, $0xFFFFFFFE, v4  }
0x3a: {  	s28 =	sadd.s32 s0, s18;
	[tilespmem:$0x80] =	vst @!p1 v3  }
0x3b: {  	v3 =	vld.msk [tilespmem:s28+$0x0 ss:$0x1], $0xffff;
	_ =	sdelay $0x4  }
0x3c: {  	(xrf1) =	vunique.msk.u32 $0xffff, v3;
	_ =	sdelay $0xd  }
0x3d: {  	v4 =	vimm.s32 $0xFFFFFFFF;
	v5, _, _ =	vpop (xrf1)  }
0x3e: {  	vm5 =	vne.s32 v3, v4;
	vm4 =	veq.s32 v5, v2  }
0x3f: {  	vm6 =	vlt.u32 v3, $0xFA000;
	vm4 =	vmand vm5, vm4  }
0x40: {  	vm4 =	vmand vm6, vm4  }
0x41: {  	v4 =	vnsel vm4, $0xFFFFFFFF, v3;
	_ =	sdelay $0x2  }
0x42: {  	s30 =	sand.u32 $0x2000, s17  }
0x43: {  	s31 =	sshll.u32 s2, $0xD;
	s0 =	sor.u32 $0x80F0, s30;
	(ifvalue) =	ssetifvalue $0xFFFFFFFF  }
0x44: {  	v3 =	vperm.xlane v3, v1;
	[tilespmem:s0], [sflag:$0x8] =	stream.indirect_vreg.gather [hbm4b:s1+s16], $0x1, v4, vm0, $0x4038;
	v4 =	vnsel vm6, $0xFFFFFFFE, v4;
	[tilespmem:$0x12120] =	vst v63  }
0x45: {  	s2 =	sand.u32 $0x2000, s31;
	s23 =	sadd.s32 $0xFFFFFFF0, s28;
	s4 =	simm.s32 $0x0;
	[tilespmem:s28+$0x0] =	vst v4  }
.LBB2_3:
0x46: {  	v4 =	vld.msk [tilespmem:s23+$0x0 ss:$0x1], $0xffff;
	s4 =	sadd.s32 $0x10, s4;
	v5 =	vmov v3;
	s28 =	smov.u32 s23  }
0x47: {  	p1 =	slt.u32 s4, $0x1FF0;
	_ =	sdelay $0x4  }
0x48: {  	v3 =	vperm.xlane v4, v1;
	(xrf1) =	vunique.msk.u32 $0xffff, v4;
	_ =	sdelay $0xd  }
0x49: {  	v6, _, _ =	vpop (xrf1)  }
0x4a: {  	vm5 =	vne.s32 v4, v5;
	vm4 =	veq.s32 v6, v2  }
0x4b: {  	vm6 =	vlt.u32 v4, $0xFA000;
	vm4 =	vmand vm5, vm4  }
0x4c: {  	vm4 =	vmand vm6, vm4  }
0x4d: {  	v4 =	vnsel vm4, $0xFFFFFFFF, v4  }
.Ltmp3:
0x4e: {  	v5 =	vnsel vm6, $0xFFFFFFFE, v4;
	(pc) =	sbr.rel @p1 .LBB2_3-.Ltmp3, $3  }
0x4f: {  	_ =	sdelay $0x1  }
0x50: {  	s23 =	sadd.s32 $0xFFFFFFF0, s23;
	s0 =	sadd.s32 $0xFFFFFFF0, s0;
	(ifvalue) =	ssetifvalue $0xFFFFFFFF  }
0x51: {  	[tilespmem:s0], [sflag:$0x8] =	stream.indirect_vreg.gather [hbm4b:s1+s16], $0x1, v4, vm0, $0x4038;
	[tilespmem:s28+$0x0] =	vst v5  }
0x52: {  	s0 =	sshrl.u32 s26, $0x3;
	s4 =	rddreg [dreg:$0x2]  }
0x53: {  	s2 =	sadd.s32 $0xA100, s2;
	s0 =	sadd.s32 s4, s0  }
0x54: {  	[tilespmem:s2], [sflag:$0x8] =	stream.linear.gather [hbm:s0], $0x2000, $0x38;
	[tilespmem:$0x12120] =	vst v63  }
.LBB2_5:
0x55: {  	p1 =	slt.u32 s25, $0x2  }
0x56: {  	p2 =	sge.u32 @!p1 s25, s12  }
0x57: {  	p1 =	por p1, p2  }
.Ltmp4:
0x58: {  	_ = 	snop;
	(pc) =	sbr.rel @p1 .LBB2_9-.Ltmp4, $1  }
0x59: {  	_ =	sdelay $0x3  }
0x5a: {  	s0 =	sadd.s32 $0xFFFFFFFE, s25  }
0x5b: {  	s2 =	smulhi.u32 $0xAAAAAAAB, s0;
	_ =	sdelay $0x1  }
0x5c: {  	s2 =	sshrl.u32 s2, $0x1  }
0x5d: {  	s2 =	smul.u32 $0x3, s2;
	_ =	sdelay $0x1  }
0x5e: {  	_ =	swait.ge [sflag:s8], $0x4000;
	s0 =	ssub.s32 s0, s2  }
0x5f: {  	p1 =	sne.s32 s25, s10;
	[sflag:s8] =	ssyncset.done $0x0;
	s0 =	sshll.u32 s0, $0xD  }
0x60: {  	[sflag:s8] =	ssyncadd.s32 $0xFFFFC000;
	s2 =	sadd.s32 @!p1 $0x20FF, s0  }
0x61: {  	[spmem:s13] =	stream.linear.scatter @!p1 [tilespmem:s2], [sflag:$0x1], $0x1, $0x38;
	[tilespmem:$0x12120] =	vst v63  }
0x62: {  	s2 =	simm.s32 @!p1 $0x1  }
0x63: {  	_ =	swait.ge @!p1 [sflag:s2], $0x1  }
0x64: {  	s4 =	sshll.u32 s25, $0x4;
	[sflag:s2] =	ssyncset.done @!p1 $0x0  }
0x65: {  	s26 =	sand.u32 $0x10, s4;
	[sflag:s2] =	ssyncadd.s32 @!p1 $0xFFFFFFFF  }
0x66: {  	s2 =	sxor.u32 $0x10, s26;
	v4 =	vld [tilespmem:s26+$0x10]  }
0x67: {  	v5 =	vld [tilespmem:s2+$0x60]  }
0x68: {  	v3 =	vld [tilespmem:$0x80];
	_ =	sdelay $0x2  }
0x69: {  	(v2sf) =	vpush v4, $0x0  }
0x6a: {  	(v2sf) =	vpush v5, $0x0  }
0x6b: {  	(v2sf) =	vpush v3, $0x0;
	_ =	sdelay $0xc  }
0x6c: {  	s4 =	spop (v2sf)  }
0x6d: {  	s23 =	spop (v2sf)  }
0x6e: {  	s29 =	spop (v2sf)  }
0x6f: {  	p2 =	seq.s32 s4, s23;
	p3 =	seq.s32 s29, s4  }
0x70: {  	p3 =	por p2, p3  }
0x71: {  	v4 =	vpsel p3, $0xFFFFFFFF, v4  }
0x72: {  	s23 =	sand.u32 $0x1, s25;
	[tilespmem:s26+$0x10] =	vst.msk $0x1, v4  }
0x73: {  	s30 =	sshll.u32 s23, $0xD;
	v4 =	vld [tilespmem:$0x30]  }
0x74: {  	v5 =	vld [tilespmem:s30+$0xA100]  }
0x75: {  	v6 =	vld [tilespmem:s26+$0x40];
	_ =	sdelay $0x3  }
0x76: {  	vm4 =	vmmov vm1;
	v5 =	vadd.f32 v5, v4  }
0x77: {  	vm5 =	vmmov vm2;
	vm4 =	vmmov @p2 vm2;
	s4 =	sshll.u32 s23, $0x4;
	v4 =	vadd.f32 v6, v4  }
0x78: {  	s28 =	sor.u32 $0x12100, s4;
	vm5 =	vmmov @p3 vm1;
	[tilespmem:s30+$0xA100] =	vst.msk vm4, v5  }
0x79: {  	[tilespmem:s28+$0x0] =	vst.msk vm5, v4  }
0x7a: {  	v4 =	vld [tilespmem:s30+$0x80F0];
	_ =	sdelay $0x3  }
0x7b: {  	v5 =	vimm.f32 $0.0e+00  }
0x7c: {  	v4 =	vshift.insert v4, v5, s22  }
0x7d: {  	s23 =	sor.u32 $0x40, s2  }
0x7e: {  	[tilespmem:s23+$0x0] =	vst.msk $0x1, v4  }
0x7f: {  	[tilespmem:s30+$0x80FF] =	vst.msk $0x1, v5  }
0x80: {  	v4 =	vld [tilespmem:s0+$0x20F0];
	_ =	sdelay $0x1  }
0x81: {  	s23 =	smulhi.u32 $0xAAAAAAAB, s21;
	_ =	sdelay $0x1  }
0x82: {  	s4 =	simm.s32 $0x1;
	s0 =	sshrl.u32 s23, $0x1  }
0x83: {  	s4 =	simm.s32 @!p0 $0x0;
	s0 =	smul.u32 $0xFFFE8000, s0;
	v4 =	vshift.insert v4, v1, s22  }
0x84: {  	s4 =	sshll.u32 s4, $0xD  }
0x85: {  	s31 =	sadd.s32 $0xA100, s4;
	s0 =	sshra.s32 s0, $0x2;
	[tilespmem:s2+$0x10] =	vst.msk $0x1, v4  }
0x86: {  	s23 =	sadd.s32 s0, s20;
	v6 =	vld [tilespmem:s31+$0x0]  }
0x87: {  	v7 =	vld [tilespmem:s23+$0x0];
	_ =	sdelay $0x3  }
0x88: {  	v5 =	vadd.f32 v6, v5  }
0x89: {  	vm4 =	vne.s32 v7, $0xFFFFFFFF  }
0x8a: {  	(xrf2) =	vadd.seg.scan.f32 vm4, v5;
	_ =	sdelay $0x3  }
0x8b: {  	s0 =	sadd.s32 $0x6100, s4;
	v5 =	vperm.xlane v4, v1  }
0x8c: {  	v6 =	vld [tilespmem:s0+$0x0]  }
0x8d: {  	vm5 =	veq.s32 v7, v3;
	vm6 =	veq.s32 v7, v5  }
0x8e: {  	vm7 =	vgt.u32 v7, $0xFFFFFFFD;
	vm6 =	vmor vm6, vm5  }
0x8f: {  	vm6 =	vmor vm6, vm7  }
0x90: {  	v9 =	vld [tilespmem:$0xA0];
	v7 =	vsel vm6, $0xFFFFFFFF, v7  }
0x91: {  	v10 =	vld [tilespmem:$0x90];
	v6 =	vsel vm5, $0x0, v6;
	v8, _, _ =	vpop (xrf2)  }
0x92: {  	v6 =	vadd.f32 v8, v6  }
0x93: {  	s2 =	sadd.s32 $0xE100, s4  }
0x94: {  	vm4 =	vmand vm4, vm3;
	[tilespmem:s2+$0x0] =	vst v6;
	(ifvalue) =	ssetifvalue $0xFFFFFFFF  }
0x95: {  	vm6 =	veq.s32 v9, $0x1;
	[hbm4b:s1+s16] =	stream.indirect_vreg.scatter [tilespmem:s2], [sflag:$0x2], $0x1, v7, vm0, $0x4038;
	v7 =	vsel vm4, $0x0, v8;
	[tilespmem:$0x12120] =	vst v63  }
0x96: {  	s4 =	simm.s32 $0x0;
	s23 =	sadd.s32 $0x10, s23;
	vm4 =	vmor vm6, vm5;
	v6 =	vsel vm5, v8, v10;
	v7 =	vshift.insert v7, v0, s22  }
.LBB2_7:
0x97: {  	v8 =	vld [tilespmem:s23+$0x0];
	s31 =	sadd.s32 $0x10, s31  }
0x98: {  	s0 =	sadd.s32 $0x10, s0;
	v9 =	vld [tilespmem:s31+$0x0]  }
0x99: {  	s4 =	sadd.s32 $0x10, s4;
	v10 =	vld [tilespmem:s0+$0x0]  }
0x9a: {  	p2 =	slt.u32 s4, $0x1FF0;
	_ =	sdelay $0x2  }
0x9b: {  	v7 =	vadd.f32 v9, v7  }
0x9c: {  	vm5 =	vne.s32 v8, $0xFFFFFFFF  }
0x9d: {  	vm6 =	vmand vm5, vm3;
	(xrf2) =	vadd.seg.scan.f32 vm5, v7;
	_ =	sdelay $0x5  }
0x9e: {  	vm7 =	veq.s32 v8, v5;
	vm5 =	veq.s32 v8, v3  }
0x9f: {  	vm8 =	vgt.u32 v8, $0xFFFFFFFD;
	vm4 =	vmor vm4, vm5;
	vm7 =	vmor vm7, vm5  }
0xa0: {  	vm7 =	vmor vm7, vm8  }
0xa1: {  	v8 =	vsel vm7, $0xFFFFFFFF, v8  }
.Ltmp5:
0xa2: {  	v7 =	vsel vm5, $0x0, v10;
	v9, _, _ =	vpop (xrf2);
	(pc) =	sbr.rel @p2 .LBB2_7-.Ltmp5, $4  }
0xa3: {  	v6 =	vsel vm5, v9, v6;
	v10 =	vadd.f32 v9, v7;
	v7 =	vsel vm6, $0x0, v9  }
0xa4: {  	s2 =	sadd.s32 $0x10, s2;
	v7 =	vshift.insert v7, v0, s22  }
0xa5: {  	s23 =	sadd.s32 $0x10, s23;
	[tilespmem:s2+$0x0] =	vst v10;
	(ifvalue) =	ssetifvalue $0xFFFFFFFF  }
0xa6: {  	[hbm4b:s1+s16] =	stream.indirect_vreg.scatter [tilespmem:s2], [sflag:$0x2], $0x1, v8, vm0, $0x4038;
	[tilespmem:$0x12120] =	vst v63  }
0xa7: {  	v3 =	vld [tilespmem:s30+$0x100F0];
	_ =	sdelay $0x4  }
0xa8: {  	v3 =	vshift.insert v3, v0, s22  }
0xa9: {  	s0 =	simm.s32 $0x30  }
0xaa: {  	[tilespmem:s0+$0x0] =	vst.msk $0x1, v3  }
0xab: {  	v3 =	vsel vm4, $0x1, v1;
	[tilespmem:$0x90] =	vst v6  }
0xac: {  	s0 =	sadd.s32 @!p1 $0x100FF, s30;
	[tilespmem:$0xA0] =	vst v3  }
0xad: {  	[spmem:s14] =	stream.linear.scatter @!p1 [tilespmem:s0], [sflag:$0x1], $0x1, $0x38;
	[tilespmem:$0x12120] =	vst v63  }
0xae: {  	s0 =	simm.s32 @!p1 $0x1  }
0xaf: {  	v3 =	vmctz.xlane @!p1 vm4;
	_ =	swait.ge @!p1 [sflag:s0], $0x1  }
0xb0: {  	(v2sf) =	vpush @!p1 v4, $0x0  }
0xb1: {  	(v2sf) =	vpush @!p1 v3, $0x0;
	_ =	sdelay $0xd  }
0xb2: {  	s2 =	spop @!p1 (v2sf)  }
0xb3: {  	s4 =	spop @!p1 (v2sf)  }
0xb4: {  	p2 =	sne.s32 @!p1 s29, s2;
	p3 =	slt.s32 @!p1 s4, $0xF  }
0xb5: {  	[sflag:s0] =	ssyncset.done @!p1 $0x0;
	p2 =	por p2, p1;
	p3 =	por !p3, p1  }
0xb6: {  	[sflag:s0] =	ssyncadd.s32 @!p1 $0xFFFFFFFF;
	v3 =	vimm.s32 @!p2 $0xFFFFFFFF;
	s4 =	simm.s32 @p3 $0xF  }
0xb7: {  	[tilespmem:$0x80] =	vst @!p2 v3;
	s2 =	sadd.s32 @!p1 $0x90, s4  }
0xb8: {  	[spmem:s11] =	stream.linear.scatter @!p1 [tilespmem:s2], [sflag:$0x1], $0x1, $0x38;
	[tilespmem:$0x12120] =	vst v63  }
0xb9: {  	_ =	swait.ge @!p1 [sflag:s0], $0x1  }
0xba: {  	[sflag:s0] =	ssyncset.done @!p1 $0x0  }
0xbb: {  	s2 =	simm.s32 @!p1 $0x80;
	[sflag:s0] =	ssyncadd.s32 @!p1 $0xFFFFFFFF  }
0xbc: {  	[spmem:s15] =	stream.linear.scatter @!p1 [tilespmem:s2], [sflag:$0x1], $0x1, $0x38;
	[tilespmem:$0x12120] =	vst v63  }
0xbd: {  	_ =	swait.ge @!p1 [sflag:s0], $0x1  }
0xbe: {  	[sflag:s0] =	ssyncset.done @!p1 $0x0  }
0xbf: {  	[sflag:s0] =	ssyncadd.s32 @!p1 $0xFFFFFFFF;
	(ifvalue) =	ssetifvalue $0xFFFFFFFF;
	v3 =	vld [tilespmem:s26+$0x10];
	_ =	sdelay $0x3  }
.Ltmp6:
0xc0: {  	_ = 	snop;
	(pc) =	sbr.rel .LBB2_9-.Ltmp6, $3  }
0xc1: {  	_ =	sdelay $0x1  }
0xc2: {  	(ifvalue) =	ssetifvalue $0xFFFFFFFF  }
0xc3: {  	[hbm4b:s1+s16] =	stream.indirect_vreg.scatter [tilespmem:s28], [sflag:$0x9], $0x1, v3, vm0, $0x4038;
	[tilespmem:$0x12120] =	vst v63  }
.LBB2_10:
0xc4: {  	_ =	sfence.sel $0x180000  }
0xc5: {  	s0 =	simm.s32 $0x7;
	[bflag:$0x0] =	sbarrier.arrive $0xFFFF  }
0xc6: {  	s26 =	simm.s32 $0x8;
	[sflag:s0] =	ssyncpa.u1 $0x1  }
0xc7: {  	s28 =	simm.s32 $0x9;
	[sflag:s26] =	ssyncpa.u1 $0x1  }
0xc8: {  	[sflag:s28] =	ssyncpa.u1 $0x1  }
0xc9: {  	_ =	sfence.stream.spmem  }
0xca: {  	s29 =	simm.s32 $0x3;
	[bflag:$0x0] =	sbarrier.arrive $0xFFFF  }
0xcb: {  	s30 =	simm.s32 $0x4;
	[sflag:s29] =	ssyncpa.u1 $0x1  }
0xcc: {  	s31 =	simm.s32 $0x3C;
	s2 =	stileid.u32;
	[sflag:s30] =	ssyncpa.u1 $0x1  }
0xcd: {  	p0 =	sne.s32 s2, $0x0;
	[sflag:s31] =	ssyncpa.u1 $0x1  }
0xce: {  	s0 =	simm.s32 @p0 $0x1;
	_ =	sfence @p0  }
0xcf: {  	[sflag:s0] =	ssyncpa.u1 @p0 $0x1;
	s0 =	simm.s32 @p0 $0x2  }
0xd0: {  	[sflag:s0] =	ssyncpa.u1 @p0 $0x1  }
0xd1: {  	_ =	strace @p0 $0x90000047  }
0xd2: {  	[bflag:$0x2] =	sbarrier.arrive @p0 $0xFFFF  }
0xd3: {  	_ =	shalt @p0  }
.LBB2_11:
0xd4: {  	_ =	sfence.stream.spmem;
	s0 =	simm.s32 $0x5  }
0xd5: {  	s2 =	simm.s32 $0x80;
	s3 =	simm.s32 $0xC0;
	[sflag:s0] =	ssyncpa.u1 $0x0  }
0xd6: {  	[tilespmem:s3], [sflag:$0x5] =	stream.linear.gather [spmem:s2], $0x20, $0x38;
	[tilespmem:$0x12120] =	vst v63  }
0xd7: {  	s2 =	simm.s32 $0x0;
	s3 =	simm.s32 $0xE0  }
0xd8: {  	[tilespmem:s3], [sflag:$0x5] =	stream.linear.gather [spmem:s2], $0x20, $0x38;
	[tilespmem:$0x12120] =	vst v63  }
.Ltmp7:
0xd9: {  	_ = 	snop;
	(pc) =	sbr.rel .LBB2_12-.Ltmp7, $4  }
0xda: {  	_ =	swait.ge [sflag:s0], $0x40  }
0xdb: {  	[sflag:s0] =	ssyncset.done $0x0  }
0xdc: {  	s31 =	simm.s32 $0x6;
	[sflag:s0] =	ssyncadd.s32 $0xFFFFFFC0  }
0xdd: {  	s4 =	simm.s32 $0x0;
	[sflag:s31] =	ssyncpa.u1 $0x0  }
.LBB2_17:
0xde: {  	p0 =	sgt.u32 s0, $0xF9FFF  }
0xdf: {  	s5 =	sshrl.u32 @!p0 s0, $0x3  }
0xe0: {  	s0 =	sand.u32 @!p0 $0x7, s0;
	s6 =	simm.s32 @!p0 $0xB0;
	s5 =	sadd.s32 @!p0 s1, s5  }
0xe1: {  	[tilespmem:s6], [sflag:$0x6] =	stream.linear.gather @!p0 [hbm4b:s5+s0], $0x1, $0x38;
	[tilespmem:$0x12120] =	vst v63  }
0xe2: {  	s0 =	simm.s32 @!p0 $0x6  }
0xe3: {  	_ =	swait.ge @!p0 [sflag:s0], $0x1  }
0xe4: {  	[sflag:s0] =	ssyncset.done @!p0 $0x0  }
0xe5: {  	[sflag:s0] =	ssyncadd.s32 @!p0 $0xFFFFFFFF  }
0xe6: {  	v2 =	vmov @!p0 s4;
	v1 =	vld.msk @!p0 [tilespmem:$0xB0], $0x1;
	_ =	sdelay $0x3  }
0xe7: {  	s0 =	simm.s32 @!p0 $0xE0  }
0xe8: {  	[tilespmem:v2+s0+$0x0], v1 =	vst.idx.ret.add.f32.msk @!p0 $0x1, v1  }
0xe9: {  	[tilespmem:s2+$0xC0] =	vst.msk $0x1, v0  }
0xea: {  	v0 =	vld.msk [tilespmem:s4+$0xE0], $0x1;
	_ =	sdelay $0x4  }
0xeb: {  	[tilespmem:s2+$0xE0] =	vst.msk $0x1, v0;
	s2 =	sadd.s32 $0x1, s2  }
.LBB2_19:
0xec: {  	s4 =	sadd.s32 $0x1, s4  }
0xed: {  	p0 =	sne.s32 s4, $0x20  }
.Ltmp8:
0xee: {  	_ = 	snop;
	(pc) =	sbr.rel @!p0 .LBB2_20-.Ltmp8, $1  }
0xef: {  	_ =	sdelay $0x3  }
.LBB2_12:
0xf0: {  	v0 =	vld.msk [tilespmem:s4+$0xC0], $0x1;
	_ =	sdelay $0x4  }
0xf1: {  	(v2sf) =	vpush v0, $0x0;
	_ =	sdelay $0xe  }
0xf2: {  	s0 =	spop (v2sf)  }
0xf3: {  	p0 =	seq.s32 s0, $0xFFFFFFFF  }
.Ltmp9:
0xf4: {  	_ = 	snop;
	(pc) =	sbr.rel @p0 .LBB2_19-.Ltmp9, $1  }
0xf5: {  	_ =	sdelay $0x3  }
0xf6: {  	p0 =	slt.s32 s2, $0x1  }
.Ltmp10:
0xf7: {  	_ = 	snop;
	(pc) =	sbr.rel @p0 .LBB2_17-.Ltmp10, $1  }
0xf8: {  	_ =	sdelay $0x3  }
0xf9: {  	s5 =	simm.s32 $0xC0;
	p0 =	por $0x0, $0x0  }
0xfa: {  	v1 =	vld.msk @!p0 [tilespmem:s5+$0x0], $0x1;
	_ =	sdelay $0x4  }
0xfb: {  	(v2sf) =	vpush @!p0 v1, $0x0;
	_ =	sdelay $0xd  }
0xfc: {  	p2 =	sne.s32 s2, $0x1  }
.Ltmp11:
0xfd: {  	s6 =	spop @!p0 (v2sf);
	(pc) =	sbr.rel @!p2 .LBB2_16-.Ltmp11, $4  }
0xfe: {  	p1 =	seq.s32 @!p0 s0, s6  }
0xff: {  	s6 =	simm.s32 $0x0;
	p1 =	por !p1, p0  }
0x100: {  	s8 =	simm.s32 $0xFFFFFFFF;
	s6 =	simm.s32 @p1 $0xFFFFFFFF  }
0x101: {  	s7 =	simm.s32 $0x1;
	s6 =	smov.u32 @p0 s8  }
.LBB2_15:
0x102: {  	s8 =	smov.u32 s6;
	p0 =	sne.s32 s6, $0xFFFFFFFF  }
0x103: {  	s5 =	sadd.s32 $0x1, s5;
	s6 =	smov.u32 s7;
	s7 =	sadd.s32 $0x1, s7  }
0x104: {  	p1 =	sne.s32 s2, s7;
	v1 =	vld.msk @!p0 [tilespmem:s5+$0x0], $0x1;
	_ =	sdelay $0x4  }
0x105: {  	(v2sf) =	vpush @!p0 v1, $0x0;
	_ =	sdelay $0xe  }
.Ltmp12:
0x106: {  	s9 =	spop @!p0 (v2sf);
	(pc) =	sbr.rel @p1 .LBB2_15-.Ltmp12, $4  }
0x107: {  	p2 =	seq.s32 @!p0 s0, s9  }
0x108: {  	p2 =	por !p2, p0  }
0x109: {  	s6 =	simm.s32 @p2 $0xFFFFFFFF  }
0x10a: {  	s6 =	smov.u32 @p0 s8  }
.LBB2_16:
0x10b: {  	p0 =	sne.s32 s6, $0xFFFFFFFF  }
.Ltmp13:
0x10c: {  	_ = 	snop;
	(pc) =	sbr.rel @!p0 .LBB2_17-.Ltmp13, $1  }
0x10d: {  	_ =	sdelay $0x3  }
0x10e: {  	v0 =	vld.msk [tilespmem:s4+$0xE0], $0x1;
	v1 =	vmov s6  }
.Ltmp14:
0x10f: {  	_ = 	snop;
	(pc) =	sbr.rel .LBB2_19-.Ltmp14, $2  }
0x110: {  	_ =	sdelay $0x2  }
0x111: {  	[tilespmem:v1+s3+$0x0], v0 =	vst.idx.ret.add.f32.msk $0x1, v0  }
.LBB2_20:
0x112: {  	p0 =	slt.s32 s2, $0x1  }
.Ltmp15:
0x113: {  	_ = 	snop;
	(pc) =	sbr.rel @p0 .LBB2_24-.Ltmp15, $3  }
0x114: {  	_ =	sdelay $0x1  }
0x115: {  	s0 =	simm.s32 $0x6  }
0x116: {  	[sflag:s0] =	ssyncpa.u1 $0x1;
	s0 =	simm.s32 $0x0  }
0x117: {  	s3 =	simm.s32 $0xC0  }
0x118: {  	v0 =	vld.msk [tilespmem:s3+$0x0], $0x1;
	_ =	sdelay $0x4  }
0x119: {  	(v2sf) =	vpush v0, $0x0;
	_ =	sdelay $0xe  }
0x11a: {  	s2 =	sadd.s32 $0xFFFFFFFF, s2;
	s4 =	spop (v2sf)  }
0x11b: {  	p1 =	sne.s32 s2, $0x0;
	p0 =	sgt.u32 s4, $0xF9FFF  }
.Ltmp16:
0x11c: {  	s5 =	sshrl.u32 @!p0 s4, $0x3;
	(pc) =	sbr.rel @!p1 .LBB2_23-.Ltmp16, $4  }
0x11d: {  	s3 =	simm.s32 $0xE0;
	s4 =	sand.u32 @!p0 $0x7, s4;
	s5 =	sadd.s32 @!p0 s1, s5  }
0x11e: {  	[hbm4b:s5+s4] =	stream.linear.scatter @!p0 [tilespmem:s3], [sflag:$0x5], $0x1, $0x38;
	[tilespmem:$0x12120] =	vst v63  }
0x11f: {  	s5 =	simm.s32 $0x0  }
0x120: {  	s4 =	simm.s32 $0xC1;
	s5 =	simm.s32 @!p0 $0x4  }
.LBB2_22:
0x121: {  	v0 =	vld.msk [tilespmem:s4+$0x0], $0x1;
	s2 =	sadd.s32 $0xFFFFFFFF, s2;
	s0 =	sadd.s32 s0, s5  }
0x122: {  	p0 =	sne.s32 s2, $0x0;
	_ =	sdelay $0x3  }
0x123: {  	(v2sf) =	vpush v0, $0x0;
	_ =	sdelay $0xe  }
.Ltmp17:
0x124: {  	s6 =	spop (v2sf);
	(pc) =	sbr.rel @p0 .LBB2_22-.Ltmp17, $4  }
0x125: {  	s5 =	simm.s32 $0x0;
	p1 =	sgt.u32 s6, $0xF9FFF  }
0x126: {  	s3 =	sadd.s32 $0x1, s3;
	s5 =	simm.s32 @!p1 $0x4;
	s7 =	sshrl.u32 @!p1 s6, $0x3  }
0x127: {  	s4 =	sadd.s32 $0x1, s4;
	s6 =	sand.u32 @!p1 $0x7, s6;
	s7 =	sadd.s32 @!p1 s1, s7  }
0x128: {  	[hbm4b:s7+s6] =	stream.linear.scatter @!p1 [tilespmem:s3], [sflag:$0x5], $0x1, $0x38;
	[tilespmem:$0x12120] =	vst v63  }
.LBB2_23:
0x129: {  	s0 =	sadd.s32 s0, s5  }
0x12a: {  	s0 =	sshrl.u32 s0, $0x2  }
.LBB2_24:
0x12b: {  	s1 =	simm.s32 $0x5  }
0x12c: {  	_ =	swait.ge [sflag:s1], s0  }
0x12d: {  	s28 =	ssub.s32 $0x0, s0;
	[sflag:s1] =	ssyncset.done $0x0  }
0x12e: {  	[sflag:s1] =	ssyncadd.s32 s28  }
0x12f: {  	[sflag:s1] =	ssyncpa.u1 $0x1  }
0x130: {  	s29 =	simm.s32 $0x1;
	_ =	sfence  }
0x131: {  	s30 =	simm.s32 $0x2;
	[sflag:s29] =	ssyncpa.u1 $0x1  }
0x132: {  	[sflag:s30] =	ssyncpa.u1 $0x1  }
0x133: {  	_ =	strace $0x90000047  }
0x134: {  	[bflag:$0x2] =	sbarrier.arrive $0xFFFF  }
0x135: {  	s31 =	rddreg [dreg:$0x3]  }
0x136: {  	s0 =	sadd.s32 $0x100000, s31  }
0x137: {  	[sflag:s0] =	ssyncadd.tile.s32 $0x1;
	_ =	shalt  }
.Lfunc_end2:
_tile_overlayer_lowered:
.L_overlay_start_2:
0x138: {  	(tag) =	ssettag $0x2  }
0x139: {  	s0 =	rddreg [dreg:$0x0];
	s2 =	stileid.u32  }
0x13a: {  	s1 =	rddreg [dreg:$0x1];
	p0 =	sne.s32 s2, $0x0  }
0x13b: {  	s3 =	rddreg [dreg:$0x2];
	[bflag:$0x3] =	sbarrier.arrive $0xFFFF;
	s2 =	simm.s32 @!p0 $0x1C01  }
0x13c: {  	[timem:s3], [sflag:s2] =	dma.local @!p0 [hbm:s0], s1  }
0x13d: {  	s0 =	simm.s32 @!p0 $0x1  }
0x13e: {  	_ =	swait.ge @!p0 [sflag:s0], s1  }
0x13f: {  	s1 =	ssub.s32 @!p0 $0x0, s1;
	[sflag:s0] =	ssyncset.done @!p0 $0x0  }
0x140: {  	[sflag:s0] =	ssyncadd.s32 @!p0 s1  }
0x141: {  	[bflag:$0x3] =	sbarrier.arrive $0xFFFF  }
0x142: {  	_ =	shalt  }

</sc_bundles>
